<compile_context>
chip_gen: v7x
topology: tpu7x:2x2x1
jax: 0.10.2.dev20260603
libtpu: 0.0.44.dev20260713+nightly
codegen_flags: <defaults>
</compile_context>

<pallas_src>
import math

import jax
import jax.numpy as jnp
from jax import lax
from jax.experimental import pallas as pl
from jax.experimental.pallas import tpu as pltpu
from jax.experimental.pallas import tpu_sc as plsc

BATCH = 16384
NC, NS = 2, 16
NW = NC * NS
B_PER_W = BATCH // NW
L = 16

PI = math.pi
HALF_PI = 0.5 * math.pi

S0, S1, S2, S3 = 0.999999463558197, -0.1666589081287384, 0.008315964601933956, -0.00018608976097311825
C0, C1, C2, C3, C4 = 0.9999999403953552, -0.4999992549419403, 0.041664090007543564, -0.0013857418671250343, 2.3237578716361895e-05


def _sin_poly(x, z):
    return x * (((S3 * z + S2) * z + S1) * z + S0)


def _cos_poly(z):
    return (((C4 * z + C3) * z + C2) * z + C1) * z + C0


def _body(idx_hbm, pc_hbm, ps_hbm, t_hbm, fc_hbm, fs_hbm, out_hbm,
          idx_v, pc_v, ps_v, t_v, fc_v, fs_v, out_v, sem):
    wid = lax.axis_index("s") * NC + lax.axis_index("c")
    base = pl.multiple_of(wid * B_PER_W, B_PER_W)
    pltpu.sync_copy(idx_hbm.at[pl.ds(base, B_PER_W)], idx_v)

    tables = (pc_hbm, ps_hbm, t_hbm, fc_hbm, fs_hbm)
    bufs = (pc_v, ps_v, t_v, fc_v, fs_v)
    descs = [pltpu.async_copy(tab.at[idx_v], buf, sem)
             for tab, buf in zip(tables, bufs)]
    for dsc in descs:
        dsc.wait()

    def chunk(c, carry):
        off = pl.multiple_of(c * L, L)
        sl = pl.ds(off, L)
        c1, s1, t = pc_v[sl], ps_v[sl], t_v[sl]
        c3, s3 = fc_v[sl], fs_v[sl]

        th = jnp.minimum(jnp.maximum(t, 0.0), PI) - HALF_PI
        zt = th * th
        s2 = _cos_poly(zt)
        c2 = -_sin_poly(th, zt)

        t1 = c1 * c2
        t2 = s1 * c2
        ents = (t1 * c3 - s1 * s3, -t1 * s3 - s1 * c3, c1 * s2,
                t2 * c3 + c1 * s3, -t2 * s3 + c1 * c3, s1 * s2,
                -s2 * c3, s2 * s3, c2)
        for e, ent in enumerate(ents):
            out_v[pl.ds(e * B_PER_W + off, L)] = ent
        return carry

    lax.fori_loop(0, B_PER_W // L, chunk, 0)
    odescs = [pltpu.async_copy(out_v.at[pl.ds(e * B_PER_W, B_PER_W)],
                               out_hbm.at[pl.ds(e * BATCH + base, B_PER_W)],
                               sem)
              for e in range(9)]
    for dsc in odescs:
        dsc.wait()


@jax.jit
def _euler_rot_sc(idx, pc, ps, t, fc, fs):
    fv = lambda: pltpu.VMEM((B_PER_W,), jnp.float32)
    k = pl.kernel(
        _body,
        out_type=jax.ShapeDtypeStruct((BATCH * 9,), jnp.float32),
        mesh=plsc.VectorSubcoreMesh(core_axis_name="c", subcore_axis_name="s",
                                    num_cores=NC, num_subcores=NS),
        compiler_params=pltpu.CompilerParams(needs_layout_passes=False),
        scratch_types=[
            pltpu.VMEM((B_PER_W,), jnp.int32),
            fv(), fv(), fv(), fv(), fv(),
            pltpu.VMEM((B_PER_W * 9,), jnp.float32),
            pltpu.SemaphoreType.DMA,
        ],
    )
    return k(idx, pc, ps, t, fc, fs)


def kernel(idx, psi_cos, psi_sin, theta, phi_cos, phi_sin, psi_delta,
           theta_delta, phi_delta):
    flat = _euler_rot_sc(idx.astype(jnp.int32), psi_cos, psi_sin, theta,
                         phi_cos, phi_sin)
    return jnp.transpose(flat.reshape(3, 3, BATCH), (2, 0, 1))

# --- scband reference (transcript-rebuilt; emitter-appended) ---
"""Pipeline reference for scband-perturbation-euler-rot-model-13769665151021 (READ-ONLY COPY).

The authoritative reference and input builder live on the scoring server;
editing this copy changes nothing except your own understanding.
"""

import jax, jax.numpy as jnp
import numpy as np
import math

N_DATA = 1000000
BATCH = 16384


def _rot_z(a):
    c, s = jnp.cos(a), jnp.sin(a)
    o, z = jnp.ones_like(a), jnp.zeros_like(a)
    return jnp.stack([c, -s, z, s, c, z, z, z, o], axis=-1).reshape(a.shape + (3, 3))


def _rot_y(a):
    c, s = jnp.cos(a), jnp.sin(a)
    o, z = jnp.ones_like(a), jnp.zeros_like(a)
    return jnp.stack([c, z, s, z, o, z, -s, z, c], axis=-1).reshape(a.shape + (3, 3))


def _euler_zyz_to_matrix(psi, theta, phi):
    # pytorch3d euler_angles_to_matrix with convention='ZYZ': Rz(psi) @ Ry(theta) @ Rz(phi)
    return jnp.matmul(jnp.matmul(_rot_z(psi), _rot_y(theta)), _rot_z(phi))


def setup_inputs(seed: int = 0) -> dict:
    key = jax.random.key(seed)
    k1, k2, k3, k4 = jax.random.split(key, 4)
    # Random ZYZ Euler angles (equivalent to matrix_to_euler_angles(rotations, 'ZYZ'))
    psi = jax.random.uniform(k1, (N_DATA,), minval=-math.pi, maxval=math.pi, dtype=jnp.float32)
    theta = jax.random.uniform(k2, (N_DATA,), minval=0.0, maxval=math.pi, dtype=jnp.float32)
    phi = jax.random.uniform(k3, (N_DATA,), minval=-math.pi, maxval=math.pi, dtype=jnp.float32)
    idx = jax.random.randint(k4, (BATCH,), 0, N_DATA, dtype=jnp.int64 if jax.config.jax_enable_x64 else jnp.int32)
    return {
        "idx": idx,
        "psi_cos": jnp.cos(psi),
        "psi_sin": jnp.sin(psi),
        "theta": theta,
        "phi_cos": jnp.cos(phi),
        "phi_sin": jnp.sin(phi),
        "psi_delta": jnp.zeros((N_DATA,), dtype=jnp.float32),
        "theta_delta": jnp.zeros((N_DATA,), dtype=jnp.float32),
        "phi_delta": jnp.zeros((N_DATA,), dtype=jnp.float32),
    }


def reference(idx, psi_cos, psi_sin, theta, phi_cos, phi_sin, psi_delta, theta_delta, phi_delta):
    # get_euler_angles(idx): gather base params, recover angles, add perturbation deltas
    psi = jnp.arctan2(jnp.take(psi_sin, idx, axis=0), jnp.take(psi_cos, idx, axis=0)) + jnp.take(psi_delta, idx, axis=0)
    th = jnp.clip(jnp.take(theta, idx, axis=0) + jnp.take(theta_delta, idx, axis=0), 0.0, math.pi)
    phi = jnp.arctan2(jnp.take(phi_sin, idx, axis=0), jnp.take(phi_cos, idx, axis=0)) + jnp.take(phi_delta, idx, axis=0)
    return _euler_zyz_to_matrix(psi, th, phi)

if __name__ == "__main__":
    import jax
    _d = setup_inputs()
    print(jax.jit(kernel)(*tuple(_d.values())))

</pallas_src>

<mosaic_0001>
#map = affine_map<(d0, d1) -> (0)>
module attributes {stable_mosaic.version = 14 : i64} {
  func.func @_body(%arg0: i32, %arg1: i32, %arg2: memref<16384xi32, #tpu.memory_space<hbm>>, %arg3: memref<1000000xf32, #tpu.memory_space<hbm>>, %arg4: memref<1000000xf32, #tpu.memory_space<hbm>>, %arg5: memref<1000000xf32, #tpu.memory_space<hbm>>, %arg6: memref<1000000xf32, #tpu.memory_space<hbm>>, %arg7: memref<1000000xf32, #tpu.memory_space<hbm>>, %arg8: memref<147456xf32, #tpu.memory_space<hbm>>, %arg9: memref<512xi32, #tpu.memory_space<vmem>>, %arg10: memref<512xf32, #tpu.memory_space<vmem>>, %arg11: memref<512xf32, #tpu.memory_space<vmem>>, %arg12: memref<512xf32, #tpu.memory_space<vmem>>, %arg13: memref<512xf32, #tpu.memory_space<vmem>>, %arg14: memref<512xf32, #tpu.memory_space<vmem>>, %arg15: memref<4608xf32, #tpu.memory_space<vmem>>, %arg16: memref<!tpu.dma_semaphore, #tpu.memory_space<semaphore_mem>>) attributes {dimension_semantics = [#tpu.dimension_semantics<core_parallel>, #tpu.dimension_semantics<subcore_parallel>], iteration_bounds = array<i64: 2, 16>, scalar_prefetch = 0 : i64, scratch_operands = 8 : i64, tpu.core_type = #tpu.core_type<sc_vector_subcore>, window_params = [{transform_indices = #map}, {transform_indices = #map}, {transform_indices = #map}, {transform_indices = #map}, {transform_indices = #map}, {transform_indices = #map}, {transform_indices = #map}]} {
    %mul3A = arith.constant 2 : i32
    %mul3A_0 = arith.muli %arg1, %mul3A : i32
    %add3A = arith.addi %mul3A_0, %arg0 : i32
    %mul3A_1 = arith.constant 512 : i32
    %mul3A_2 = arith.muli %add3A, %mul3A_1 : i32
    %multiple_of3A = tpu.assume_multiple %mul3A_2, 512 : i32
    "tpu.region"() ({
      %run_scoped3A = tpu.sem_alloc : memref<!tpu.dma_semaphore, #tpu.memory_space<semaphore_mem>>
      %dma_start3A_152 = tpu.memref_slice %arg2[%multiple_of3A] : memref<16384xi32, #tpu.memory_space<hbm>> -> memref<512xi32, #tpu.memory_space<hbm>>
      %dma_start3A_153 = tpu.memref_slice %arg2[%multiple_of3A] : memref<16384xi32, #tpu.memory_space<hbm>> -> memref<512xi32, #tpu.memory_space<hbm>>
      tpu.enqueue_dma source(%dma_start3A_153 : memref<512xi32, #tpu.memory_space<hbm>>) target(%arg9 : memref<512xi32, #tpu.memory_space<vmem>>) target_semaphore(%run_scoped3A : memref<!tpu.dma_semaphore, #tpu.memory_space<semaphore_mem>>)
      %dma_wait3A_154 = tpu.memref_slice %arg2[%multiple_of3A] : memref<16384xi32, #tpu.memory_space<hbm>> -> memref<512xi32, #tpu.memory_space<hbm>>
      %dma_wait3A_155 = tpu.memref_slice %arg2[%multiple_of3A] : memref<16384xi32, #tpu.memory_space<hbm>> -> memref<512xi32, #tpu.memory_space<hbm>>
      tpu.wait_dma2 semaphore(%run_scoped3A : memref<!tpu.dma_semaphore, #tpu.memory_space<semaphore_mem>>) src(%dma_wait3A_155 : memref<512xi32, #tpu.memory_space<hbm>>) dst(%arg9 : memref<512xi32, #tpu.memory_space<vmem>>)
      tpu.yield
    }) : () -> ()
    %dma_start3A = arith.constant 0 : i32
    %dma_start3A_3 = tpu.memref_slice %arg3[%dma_start3A] : memref<1000000xf32, #tpu.memory_space<hbm>> -> memref<1000000xf32, #tpu.memory_space<hbm>>
    tpu.enqueue_indirect_dma source(%dma_start3A_3 : memref<1000000xf32, #tpu.memory_space<hbm>>) target(%arg10 : memref<512xf32, #tpu.memory_space<vmem>>) offsets(%arg9 : memref<512xi32, #tpu.memory_space<vmem>>) semaphore(%arg16 : memref<!tpu.dma_semaphore, #tpu.memory_space<semaphore_mem>>)
    %dma_start3A_4 = arith.constant 0 : i32
    %dma_start3A_5 = tpu.memref_slice %arg4[%dma_start3A_4] : memref<1000000xf32, #tpu.memory_space<hbm>> -> memref<1000000xf32, #tpu.memory_space<hbm>>
    tpu.enqueue_indirect_dma source(%dma_start3A_5 : memref<1000000xf32, #tpu.memory_space<hbm>>) target(%arg11 : memref<512xf32, #tpu.memory_space<vmem>>) offsets(%arg9 : memref<512xi32, #tpu.memory_space<vmem>>) semaphore(%arg16 : memref<!tpu.dma_semaphore, #tpu.memory_space<semaphore_mem>>)
    %dma_start3A_6 = arith.constant 0 : i32
    %dma_start3A_7 = tpu.memref_slice %arg5[%dma_start3A_6] : memref<1000000xf32, #tpu.memory_space<hbm>> -> memref<1000000xf32, #tpu.memory_space<hbm>>
    tpu.enqueue_indirect_dma source(%dma_start3A_7 : memref<1000000xf32, #tpu.memory_space<hbm>>) target(%arg12 : memref<512xf32, #tpu.memory_space<vmem>>) offsets(%arg9 : memref<512xi32, #tpu.memory_space<vmem>>) semaphore(%arg16 : memref<!tpu.dma_semaphore, #tpu.memory_space<semaphore_mem>>)
    %dma_start3A_8 = arith.constant 0 : i32
    %dma_start3A_9 = tpu.memref_slice %arg6[%dma_start3A_8] : memref<1000000xf32, #tpu.memory_space<hbm>> -> memref<1000000xf32, #tpu.memory_space<hbm>>
    tpu.enqueue_indirect_dma source(%dma_start3A_9 : memref<1000000xf32, #tpu.memory_space<hbm>>) target(%arg13 : memref<512xf32, #tpu.memory_space<vmem>>) offsets(%arg9 : memref<512xi32, #tpu.memory_space<vmem>>) semaphore(%arg16 : memref<!tpu.dma_semaphore, #tpu.memory_space<semaphore_mem>>)
    %dma_start3A_10 = arith.constant 0 : i32
    %dma_start3A_11 = tpu.memref_slice %arg7[%dma_start3A_10] : memref<1000000xf32, #tpu.memory_space<hbm>> -> memref<1000000xf32, #tpu.memory_space<hbm>>
    tpu.enqueue_indirect_dma source(%dma_start3A_11 : memref<1000000xf32, #tpu.memory_space<hbm>>) target(%arg14 : memref<512xf32, #tpu.memory_space<vmem>>) offsets(%arg9 : memref<512xi32, #tpu.memory_space<vmem>>) semaphore(%arg16 : memref<!tpu.dma_semaphore, #tpu.memory_space<semaphore_mem>>)
    %dma_wait3A = arith.constant 0 : i32
    %dma_wait3A_12 = tpu.memref_slice %arg3[%dma_wait3A] : memref<1000000xf32, #tpu.memory_space<hbm>> -> memref<1000000xf32, #tpu.memory_space<hbm>>
    tpu.wait_indirect_dma semaphore(%arg16 : memref<!tpu.dma_semaphore, #tpu.memory_space<semaphore_mem>>) src(%dma_wait3A_12 : memref<1000000xf32, #tpu.memory_space<hbm>>) dst(%arg10 : memref<512xf32, #tpu.memory_space<vmem>>)
    %dma_wait3A_13 = arith.constant 0 : i32
    %dma_wait3A_14 = tpu.memref_slice %arg4[%dma_wait3A_13] : memref<1000000xf32, #tpu.memory_space<hbm>> -> memref<1000000xf32, #tpu.memory_space<hbm>>
    tpu.wait_indirect_dma semaphore(%arg16 : memref<!tpu.dma_semaphore, #tpu.memory_space<semaphore_mem>>) src(%dma_wait3A_14 : memref<1000000xf32, #tpu.memory_space<hbm>>) dst(%arg11 : memref<512xf32, #tpu.memory_space<vmem>>)
    %dma_wait3A_15 = arith.constant 0 : i32
    %dma_wait3A_16 = tpu.memref_slice %arg5[%dma_wait3A_15] : memref<1000000xf32, #tpu.memory_space<hbm>> -> memref<1000000xf32, #tpu.memory_space<hbm>>
    tpu.wait_indirect_dma semaphore(%arg16 : memref<!tpu.dma_semaphore, #tpu.memory_space<semaphore_mem>>) src(%dma_wait3A_16 : memref<1000000xf32, #tpu.memory_space<hbm>>) dst(%arg12 : memref<512xf32, #tpu.memory_space<vmem>>)
    %dma_wait3A_17 = arith.constant 0 : i32
    %dma_wait3A_18 = tpu.memref_slice %arg6[%dma_wait3A_17] : memref<1000000xf32, #tpu.memory_space<hbm>> -> memref<1000000xf32, #tpu.memory_space<hbm>>
    tpu.wait_indirect_dma semaphore(%arg16 : memref<!tpu.dma_semaphore, #tpu.memory_space<semaphore_mem>>) src(%dma_wait3A_18 : memref<1000000xf32, #tpu.memory_space<hbm>>) dst(%arg13 : memref<512xf32, #tpu.memory_space<vmem>>)
    %dma_wait3A_19 = arith.constant 0 : i32
    %dma_wait3A_20 = tpu.memref_slice %arg7[%dma_wait3A_19] : memref<1000000xf32, #tpu.memory_space<hbm>> -> memref<1000000xf32, #tpu.memory_space<hbm>>
    tpu.wait_indirect_dma semaphore(%arg16 : memref<!tpu.dma_semaphore, #tpu.memory_space<semaphore_mem>>) src(%dma_wait3A_20 : memref<1000000xf32, #tpu.memory_space<hbm>>) dst(%arg14 : memref<512xf32, #tpu.memory_space<vmem>>)
    %scan3A = arith.constant 0 : i32
    %scan3A_21 = arith.constant 0 : i32
    %scan3A_22 = arith.constant 32 : i32
    %scan3A_23 = arith.addi %scan3A_21, %scan3A_22 : i32
    %scan3A_24 = arith.constant 1 : i32
    scf.for %scan3A_152 = %scan3A_21 to %scan3A_23 step %scan3A_24  : i32 {
      %mul3A_153 = arith.constant 16 : i32
      %mul3A_154 = arith.muli %scan3A_152, %mul3A_153 : i32
      %multiple_of3A_155 = tpu.assume_multiple %mul3A_154, 16 : i32
      %get3A = arith.index_cast %multiple_of3A_155 : i32 to index
      %get3A_156 = tpu.vector_load %arg10[%get3A] {strides = array<i32>} : memref<512xf32, #tpu.memory_space<vmem>>, vector<16xf32>,
      %get3A_157 = arith.index_cast %multiple_of3A_155 : i32 to index
      %get3A_158 = tpu.vector_load %arg11[%get3A_157] {strides = array<i32>} : memref<512xf32, #tpu.memory_space<vmem>>, vector<16xf32>,
      %get3A_159 = arith.index_cast %multiple_of3A_155 : i32 to index
      %get3A_160 = tpu.vector_load %arg12[%get3A_159] {strides = array<i32>} : memref<512xf32, #tpu.memory_space<vmem>>, vector<16xf32>,
      %get3A_161 = arith.index_cast %multiple_of3A_155 : i32 to index
      %get3A_162 = tpu.vector_load %arg13[%get3A_161] {strides = array<i32>} : memref<512xf32, #tpu.memory_space<vmem>>, vector<16xf32>,
      %get3A_163 = arith.index_cast %multiple_of3A_155 : i32 to index
      %get3A_164 = tpu.vector_load %arg14[%get3A_163] {strides = array<i32>} : memref<512xf32, #tpu.memory_space<vmem>>, vector<16xf32>,
      %max3A = arith.constant 0.000000e+00 : f32
      %max3A_165 = vector.broadcast %max3A : f32 to vector<16xf32>
      %max3A_166 = arith.maximumf %get3A_160, %max3A_165 : vector<16xf32>
      %min3A = arith.constant 3.14159274 : f32
      %min3A_167 = vector.broadcast %min3A : f32 to vector<16xf32>
      %min3A_168 = arith.minimumf %max3A_166, %min3A_167 : vector<16xf32>
      %sub3A = arith.constant 1.57079637 : f32
      %sub3A_169 = vector.broadcast %sub3A : f32 to vector<16xf32>
      %sub3A_170 = arith.subf %min3A_168, %sub3A_169 : vector<16xf32>
      %mul3A_171 = arith.mulf %sub3A_170, %sub3A_170 : vector<16xf32>
      %mul3A_172 = arith.constant 2.32375787E-5 : f32
      %mul3A_173 = vector.broadcast %mul3A_172 : f32 to vector<16xf32>
      %mul3A_174 = arith.mulf %mul3A_173, %mul3A_171 : vector<16xf32>
      %add3A_175 = arith.constant -0.00138574187 : f32
      %add3A_176 = vector.broadcast %add3A_175 : f32 to vector<16xf32>
      %add3A_177 = arith.addf %mul3A_174, %add3A_176 : vector<16xf32>
      %mul3A_178 = arith.mulf %add3A_177, %mul3A_171 : vector<16xf32>
      %add3A_179 = arith.constant 0.04166409 : f32
      %add3A_180 = vector.broadcast %add3A_179 : f32 to vector<16xf32>
      %add3A_181 = arith.addf %mul3A_178, %add3A_180 : vector<16xf32>
      %mul3A_182 = arith.mulf %add3A_181, %mul3A_171 : vector<16xf32>
      %add3A_183 = arith.constant -0.499999255 : f32
      %add3A_184 = vector.broadcast %add3A_183 : f32 to vector<16xf32>
      %add3A_185 = arith.addf %mul3A_182, %add3A_184 : vector<16xf32>
      %mul3A_186 = arith.mulf %add3A_185, %mul3A_171 : vector<16xf32>
      %add3A_187 = arith.constant 0.99999994 : f32
      %add3A_188 = vector.broadcast %add3A_187 : f32 to vector<16xf32>
      %add3A_189 = arith.addf %mul3A_186, %add3A_188 : vector<16xf32>
      %mul3A_190 = arith.constant -1.86089761E-4 : f32
      %mul3A_191 = vector.broadcast %mul3A_190 : f32 to vector<16xf32>
      %mul3A_192 = arith.mulf %mul3A_191, %mul3A_171 : vector<16xf32>
      %add3A_193 = arith.constant 0.0083159646 : f32
      %add3A_194 = vector.broadcast %add3A_193 : f32 to vector<16xf32>
      %add3A_195 = arith.addf %mul3A_192, %add3A_194 : vector<16xf32>
      %mul3A_196 = arith.mulf %add3A_195, %mul3A_171 : vector<16xf32>
      %add3A_197 = arith.constant -0.166658908 : f32
      %add3A_198 = vector.broadcast %add3A_197 : f32 to vector<16xf32>
      %add3A_199 = arith.addf %mul3A_196, %add3A_198 : vector<16xf32>
      %mul3A_200 = arith.mulf %add3A_199, %mul3A_171 : vector<16xf32>
      %add3A_201 = arith.constant 0.999999463 : f32
      %add3A_202 = vector.broadcast %add3A_201 : f32 to vector<16xf32>
      %add3A_203 = arith.addf %mul3A_200, %add3A_202 : vector<16xf32>
      %mul3A_204 = arith.mulf %sub3A_170, %add3A_203 : vector<16xf32>
      %neg3A = arith.constant 0.000000e+00 : f32
      %neg3A_205 = vector.broadcast %neg3A : f32 to vector<16xf32>
      %neg3A_206 = arith.subf %neg3A_205, %mul3A_204 : vector<16xf32>
      %mul3A_207 = arith.mulf %get3A_156, %neg3A_206 : vector<16xf32>
      %mul3A_208 = arith.mulf %get3A_158, %neg3A_206 : vector<16xf32>
      %mul3A_209 = arith.mulf %mul3A_207, %get3A_162 : vector<16xf32>
      %mul3A_210 = arith.mulf %get3A_158, %get3A_164 : vector<16xf32>
      %sub3A_211 = arith.subf %mul3A_209, %mul3A_210 : vector<16xf32>
      %neg3A_212 = arith.constant 0.000000e+00 : f32
      %neg3A_213 = vector.broadcast %neg3A_212 : f32 to vector<16xf32>
      %neg3A_214 = arith.subf %neg3A_213, %mul3A_207 : vector<16xf32>
      %mul3A_215 = arith.mulf %neg3A_214, %get3A_164 : vector<16xf32>
      %mul3A_216 = arith.mulf %get3A_158, %get3A_162 : vector<16xf32>
      %sub3A_217 = arith.subf %mul3A_215, %mul3A_216 : vector<16xf32>
      %mul3A_218 = arith.mulf %get3A_156, %add3A_189 : vector<16xf32>
      %mul3A_219 = arith.mulf %mul3A_208, %get3A_162 : vector<16xf32>
      %mul3A_220 = arith.mulf %get3A_156, %get3A_164 : vector<16xf32>
      %add3A_221 = arith.addf %mul3A_219, %mul3A_220 : vector<16xf32>
      %neg3A_222 = arith.constant 0.000000e+00 : f32
      %neg3A_223 = vector.broadcast %neg3A_222 : f32 to vector<16xf32>
      %neg3A_224 = arith.subf %neg3A_223, %mul3A_208 : vector<16xf32>
      %mul3A_225 = arith.mulf %neg3A_224, %get3A_164 : vector<16xf32>
      %mul3A_226 = arith.mulf %get3A_156, %get3A_162 : vector<16xf32>
      %add3A_227 = arith.addf %mul3A_225, %mul3A_226 : vector<16xf32>
      %mul3A_228 = arith.mulf %get3A_158, %add3A_189 : vector<16xf32>
      %neg3A_229 = arith.constant 0.000000e+00 : f32
      %neg3A_230 = vector.broadcast %neg3A_229 : f32 to vector<16xf32>
      %neg3A_231 = arith.subf %neg3A_230, %add3A_189 : vector<16xf32>
      %mul3A_232 = arith.mulf %neg3A_231, %get3A_162 : vector<16xf32>
      %mul3A_233 = arith.mulf %add3A_189, %get3A_164 : vector<16xf32>
      %add3A_234 = arith.constant 0 : i32
      %add3A_235 = arith.addi %add3A_234, %multiple_of3A_155 : i32
      %swap3A = arith.index_cast %add3A_235 : i32 to index
      %swap3A_236 = tpu.vector_load %arg15[%swap3A] {strides = array<i32>} : memref<4608xf32, #tpu.memory_space<vmem>>, vector<16xf32>,
      tpu.vector_store %arg15[%swap3A], %sub3A_211 {strides = array<i32>} : memref<4608xf32, #tpu.memory_space<vmem>>, vector<16xf32>,
      %add3A_237 = arith.constant 512 : i32
      %add3A_238 = arith.addi %add3A_237, %multiple_of3A_155 : i32
      %swap3A_239 = arith.index_cast %add3A_238 : i32 to index
      %swap3A_240 = tpu.vector_load %arg15[%swap3A_239] {strides = array<i32>} : memref<4608xf32, #tpu.memory_space<vmem>>, vector<16xf32>,
      tpu.vector_store %arg15[%swap3A_239], %sub3A_217 {strides = array<i32>} : memref<4608xf32, #tpu.memory_space<vmem>>, vector<16xf32>,
      %add3A_241 = arith.constant 1024 : i32
      %add3A_242 = arith.addi %add3A_241, %multiple_of3A_155 : i32
      %swap3A_243 = arith.index_cast %add3A_242 : i32 to index
      %swap3A_244 = tpu.vector_load %arg15[%swap3A_243] {strides = array<i32>} : memref<4608xf32, #tpu.memory_space<vmem>>, vector<16xf32>,
      tpu.vector_store %arg15[%swap3A_243], %mul3A_218 {strides = array<i32>} : memref<4608xf32, #tpu.memory_space<vmem>>, vector<16xf32>,
      %add3A_245 = arith.constant 1536 : i32
      %add3A_246 = arith.addi %add3A_245, %multiple_of3A_155 : i32
      %swap3A_247 = arith.index_cast %add3A_246 : i32 to index
      %swap3A_248 = tpu.vector_load %arg15[%swap3A_247] {strides = array<i32>} : memref<4608xf32, #tpu.memory_space<vmem>>, vector<16xf32>,
      tpu.vector_store %arg15[%swap3A_247], %add3A_221 {strides = array<i32>} : memref<4608xf32, #tpu.memory_space<vmem>>, vector<16xf32>,
      %add3A_249 = arith.constant 2048 : i32
      %add3A_250 = arith.addi %add3A_249, %multiple_of3A_155 : i32
      %swap3A_251 = arith.index_cast %add3A_250 : i32 to index
      %swap3A_252 = tpu.vector_load %arg15[%swap3A_251] {strides = array<i32>} : memref<4608xf32, #tpu.memory_space<vmem>>, vector<16xf32>,
      tpu.vector_store %arg15[%swap3A_251], %add3A_227 {strides = array<i32>} : memref<4608xf32, #tpu.memory_space<vmem>>, vector<16xf32>,
      %add3A_253 = arith.constant 2560 : i32
      %add3A_254 = arith.addi %add3A_253, %multiple_of3A_155 : i32
      %swap3A_255 = arith.index_cast %add3A_254 : i32 to index
      %swap3A_256 = tpu.vector_load %arg15[%swap3A_255] {strides = array<i32>} : memref<4608xf32, #tpu.memory_space<vmem>>, vector<16xf32>,
      tpu.vector_store %arg15[%swap3A_255], %mul3A_228 {strides = array<i32>} : memref<4608xf32, #tpu.memory_space<vmem>>, vector<16xf32>,
      %add3A_257 = arith.constant 3072 : i32
      %add3A_258 = arith.addi %add3A_257, %multiple_of3A_155 : i32
      %swap3A_259 = arith.index_cast %add3A_258 : i32 to index
      %swap3A_260 = tpu.vector_load %arg15[%swap3A_259] {strides = array<i32>} : memref<4608xf32, #tpu.memory_space<vmem>>, vector<16xf32>,
      tpu.vector_store %arg15[%swap3A_259], %mul3A_232 {strides = array<i32>} : memref<4608xf32, #tpu.memory_space<vmem>>, vector<16xf32>,
      %add3A_261 = arith.constant 3584 : i32
      %add3A_262 = arith.addi %add3A_261, %multiple_of3A_155 : i32
      %swap3A_263 = arith.index_cast %add3A_262 : i32 to index
      %swap3A_264 = tpu.vector_load %arg15[%swap3A_263] {strides = array<i32>} : memref<4608xf32, #tpu.memory_space<vmem>>, vector<16xf32>,
      tpu.vector_store %arg15[%swap3A_263], %mul3A_233 {strides = array<i32>} : memref<4608xf32, #tpu.memory_space<vmem>>, vector<16xf32>,
      %add3A_265 = arith.constant 4096 : i32
      %add3A_266 = arith.addi %add3A_265, %multiple_of3A_155 : i32
      %swap3A_267 = arith.index_cast %add3A_266 : i32 to index
      %swap3A_268 = tpu.vector_load %arg15[%swap3A_267] {strides = array<i32>} : memref<4608xf32, #tpu.memory_space<vmem>>, vector<16xf32>,
      tpu.vector_store %arg15[%swap3A_267], %neg3A_206 {strides = array<i32>} : memref<4608xf32, #tpu.memory_space<vmem>>, vector<16xf32>,
    }
    %scan3A_25 = arith.constant 32 : i32
    %add3A_26 = arith.constant 0 : i32
    %add3A_27 = arith.addi %add3A_26, %multiple_of3A : i32
    %dma_start3A_28 = arith.constant 0 : i32
    %dma_start3A_29 = tpu.memref_slice %arg15[%dma_start3A_28] : memref<4608xf32, #tpu.memory_space<vmem>> -> memref<512xf32, #tpu.memory_space<vmem>>
    %dma_start3A_30 = tpu.memref_slice %arg8[%add3A_27] : memref<147456xf32, #tpu.memory_space<hbm>> -> memref<512xf32, #tpu.memory_space<hbm>>
    %dma_start3A_31 = tpu.memref_slice %arg8[%add3A_27] : memref<147456xf32, #tpu.memory_space<hbm>> -> memref<512xf32, #tpu.memory_space<hbm>>
    %dma_start3A_32 = arith.constant 0 : i32
    %dma_start3A_33 = tpu.memref_slice %arg15[%dma_start3A_32] : memref<4608xf32, #tpu.memory_space<vmem>> -> memref<512xf32, #tpu.memory_space<vmem>>
    tpu.enqueue_dma source(%dma_start3A_33 : memref<512xf32, #tpu.memory_space<vmem>>) target(%dma_start3A_31 : memref<512xf32, #tpu.memory_space<hbm>>) target_semaphore(%arg16 : memref<!tpu.dma_semaphore, #tpu.memory_space<semaphore_mem>>)
    %add3A_34 = arith.constant 16384 : i32
    %add3A_35 = arith.addi %add3A_34, %multiple_of3A : i32
    %dma_start3A_36 = arith.constant 512 : i32
    %dma_start3A_37 = tpu.memref_slice %arg15[%dma_start3A_36] : memref<4608xf32, #tpu.memory_space<vmem>> -> memref<512xf32, #tpu.memory_space<vmem>>
    %dma_start3A_38 = tpu.memref_slice %arg8[%add3A_35] : memref<147456xf32, #tpu.memory_space<hbm>> -> memref<512xf32, #tpu.memory_space<hbm>>
    %dma_start3A_39 = tpu.memref_slice %arg8[%add3A_35] : memref<147456xf32, #tpu.memory_space<hbm>> -> memref<512xf32, #tpu.memory_space<hbm>>
    %dma_start3A_40 = arith.constant 512 : i32
    %dma_start3A_41 = tpu.memref_slice %arg15[%dma_start3A_40] : memref<4608xf32, #tpu.memory_space<vmem>> -> memref<512xf32, #tpu.memory_space<vmem>>
    tpu.enqueue_dma source(%dma_start3A_41 : memref<512xf32, #tpu.memory_space<vmem>>) target(%dma_start3A_39 : memref<512xf32, #tpu.memory_space<hbm>>) target_semaphore(%arg16 : memref<!tpu.dma_semaphore, #tpu.memory_space<semaphore_mem>>)
    %add3A_42 = arith.constant 32768 : i32
    %add3A_43 = arith.addi %add3A_42, %multiple_of3A : i32
    %dma_start3A_44 = arith.constant 1024 : i32
    %dma_start3A_45 = tpu.memref_slice %arg15[%dma_start3A_44] : memref<4608xf32, #tpu.memory_space<vmem>> -> memref<512xf32, #tpu.memory_space<vmem>>
    %dma_start3A_46 = tpu.memref_slice %arg8[%add3A_43] : memref<147456xf32, #tpu.memory_space<hbm>> -> memref<512xf32, #tpu.memory_space<hbm>>
    %dma_start3A_47 = tpu.memref_slice %arg8[%add3A_43] : memref<147456xf32, #tpu.memory_space<hbm>> -> memref<512xf32, #tpu.memory_space<hbm>>
    %dma_start3A_48 = arith.constant 1024 : i32
    %dma_start3A_49 = tpu.memref_slice %arg15[%dma_start3A_48] : memref<4608xf32, #tpu.memory_space<vmem>> -> memref<512xf32, #tpu.memory_space<vmem>>
    tpu.enqueue_dma source(%dma_start3A_49 : memref<512xf32, #tpu.memory_space<vmem>>) target(%dma_start3A_47 : memref<512xf32, #tpu.memory_space<hbm>>) target_semaphore(%arg16 : memref<!tpu.dma_semaphore, #tpu.memory_space<semaphore_mem>>)
    %add3A_50 = arith.constant 49152 : i32
    %add3A_51 = arith.addi %add3A_50, %multiple_of3A : i32
    %dma_start3A_52 = arith.constant 1536 : i32
    %dma_start3A_53 = tpu.memref_slice %arg15[%dma_start3A_52] : memref<4608xf32, #tpu.memory_space<vmem>> -> memref<512xf32, #tpu.memory_space<vmem>>
    %dma_start3A_54 = tpu.memref_slice %arg8[%add3A_51] : memref<147456xf32, #tpu.memory_space<hbm>> -> memref<512xf32, #tpu.memory_space<hbm>>
    %dma_start3A_55 = tpu.memref_slice %arg8[%add3A_51] : memref<147456xf32, #tpu.memory_space<hbm>> -> memref<512xf32, #tpu.memory_space<hbm>>
    %dma_start3A_56 = arith.constant 1536 : i32
    %dma_start3A_57 = tpu.memref_slice %arg15[%dma_start3A_56] : memref<4608xf32, #tpu.memory_space<vmem>> -> memref<512xf32, #tpu.memory_space<vmem>>
    tpu.enqueue_dma source(%dma_start3A_57 : memref<512xf32, #tpu.memory_space<vmem>>) target(%dma_start3A_55 : memref<512xf32, #tpu.memory_space<hbm>>) target_semaphore(%arg16 : memref<!tpu.dma_semaphore, #tpu.memory_space<semaphore_mem>>)
    %add3A_58 = arith.constant 65536 : i32
    %add3A_59 = arith.addi %add3A_58, %multiple_of3A : i32
    %dma_start3A_60 = arith.constant 2048 : i32
    %dma_start3A_61 = tpu.memref_slice %arg15[%dma_start3A_60] : memref<4608xf32, #tpu.memory_space<vmem>> -> memref<512xf32, #tpu.memory_space<vmem>>
    %dma_start3A_62 = tpu.memref_slice %arg8[%add3A_59] : memref<147456xf32, #tpu.memory_space<hbm>> -> memref<512xf32, #tpu.memory_space<hbm>>
    %dma_start3A_63 = tpu.memref_slice %arg8[%add3A_59] : memref<147456xf32, #tpu.memory_space<hbm>> -> memref<512xf32, #tpu.memory_space<hbm>>
    %dma_start3A_64 = arith.constant 2048 : i32
    %dma_start3A_65 = tpu.memref_slice %arg15[%dma_start3A_64] : memref<4608xf32, #tpu.memory_space<vmem>> -> memref<512xf32, #tpu.memory_space<vmem>>
    tpu.enqueue_dma source(%dma_start3A_65 : memref<512xf32, #tpu.memory_space<vmem>>) target(%dma_start3A_63 : memref<512xf32, #tpu.memory_space<hbm>>) target_semaphore(%arg16 : memref<!tpu.dma_semaphore, #tpu.memory_space<semaphore_mem>>)
    %add3A_66 = arith.constant 81920 : i32
    %add3A_67 = arith.addi %add3A_66, %multiple_of3A : i32
    %dma_start3A_68 = arith.constant 2560 : i32
    %dma_start3A_69 = tpu.memref_slice %arg15[%dma_start3A_68] : memref<4608xf32, #tpu.memory_space<vmem>> -> memref<512xf32, #tpu.memory_space<vmem>>
    %dma_start3A_70 = tpu.memref_slice %arg8[%add3A_67] : memref<147456xf32, #tpu.memory_space<hbm>> -> memref<512xf32, #tpu.memory_space<hbm>>
    %dma_start3A_71 = tpu.memref_slice %arg8[%add3A_67] : memref<147456xf32, #tpu.memory_space<hbm>> -> memref<512xf32, #tpu.memory_space<hbm>>
    %dma_start3A_72 = arith.constant 2560 : i32
    %dma_start3A_73 = tpu.memref_slice %arg15[%dma_start3A_72] : memref<4608xf32, #tpu.memory_space<vmem>> -> memref<512xf32, #tpu.memory_space<vmem>>
    tpu.enqueue_dma source(%dma_start3A_73 : memref<512xf32, #tpu.memory_space<vmem>>) target(%dma_start3A_71 : memref<512xf32, #tpu.memory_space<hbm>>) target_semaphore(%arg16 : memref<!tpu.dma_semaphore, #tpu.memory_space<semaphore_mem>>)
    %add3A_74 = arith.constant 98304 : i32
    %add3A_75 = arith.addi %add3A_74, %multiple_of3A : i32
    %dma_start3A_76 = arith.constant 3072 : i32
    %dma_start3A_77 = tpu.memref_slice %arg15[%dma_start3A_76] : memref<4608xf32, #tpu.memory_space<vmem>> -> memref<512xf32, #tpu.memory_space<vmem>>
    %dma_start3A_78 = tpu.memref_slice %arg8[%add3A_75] : memref<147456xf32, #tpu.memory_space<hbm>> -> memref<512xf32, #tpu.memory_space<hbm>>
    %dma_start3A_79 = tpu.memref_slice %arg8[%add3A_75] : memref<147456xf32, #tpu.memory_space<hbm>> -> memref<512xf32, #tpu.memory_space<hbm>>
    %dma_start3A_80 = arith.constant 3072 : i32
    %dma_start3A_81 = tpu.memref_slice %arg15[%dma_start3A_80] : memref<4608xf32, #tpu.memory_space<vmem>> -> memref<512xf32, #tpu.memory_space<vmem>>
    tpu.enqueue_dma source(%dma_start3A_81 : memref<512xf32, #tpu.memory_space<vmem>>) target(%dma_start3A_79 : memref<512xf32, #tpu.memory_space<hbm>>) target_semaphore(%arg16 : memref<!tpu.dma_semaphore, #tpu.memory_space<semaphore_mem>>)
    %add3A_82 = arith.constant 114688 : i32
    %add3A_83 = arith.addi %add3A_82, %multiple_of3A : i32
    %dma_start3A_84 = arith.constant 3584 : i32
    %dma_start3A_85 = tpu.memref_slice %arg15[%dma_start3A_84] : memref<4608xf32, #tpu.memory_space<vmem>> -> memref<512xf32, #tpu.memory_space<vmem>>
    %dma_start3A_86 = tpu.memref_slice %arg8[%add3A_83] : memref<147456xf32, #tpu.memory_space<hbm>> -> memref<512xf32, #tpu.memory_space<hbm>>
    %dma_start3A_87 = tpu.memref_slice %arg8[%add3A_83] : memref<147456xf32, #tpu.memory_space<hbm>> -> memref<512xf32, #tpu.memory_space<hbm>>
    %dma_start3A_88 = arith.constant 3584 : i32
    %dma_start3A_89 = tpu.memref_slice %arg15[%dma_start3A_88] : memref<4608xf32, #tpu.memory_space<vmem>> -> memref<512xf32, #tpu.memory_space<vmem>>
    tpu.enqueue_dma source(%dma_start3A_89 : memref<512xf32, #tpu.memory_space<vmem>>) target(%dma_start3A_87 : memref<512xf32, #tpu.memory_space<hbm>>) target_semaphore(%arg16 : memref<!tpu.dma_semaphore, #tpu.memory_space<semaphore_mem>>)
    %add3A_90 = arith.constant 131072 : i32
    %add3A_91 = arith.addi %add3A_90, %multiple_of3A : i32
    %dma_start3A_92 = arith.constant 4096 : i32
    %dma_start3A_93 = tpu.memref_slice %arg15[%dma_start3A_92] : memref<4608xf32, #tpu.memory_space<vmem>> -> memref<512xf32, #tpu.memory_space<vmem>>
    %dma_start3A_94 = tpu.memref_slice %arg8[%add3A_91] : memref<147456xf32, #tpu.memory_space<hbm>> -> memref<512xf32, #tpu.memory_space<hbm>>
    %dma_start3A_95 = tpu.memref_slice %arg8[%add3A_91] : memref<147456xf32, #tpu.memory_space<hbm>> -> memref<512xf32, #tpu.memory_space<hbm>>
    %dma_start3A_96 = arith.constant 4096 : i32
    %dma_start3A_97 = tpu.memref_slice %arg15[%dma_start3A_96] : memref<4608xf32, #tpu.memory_space<vmem>> -> memref<512xf32, #tpu.memory_space<vmem>>
    tpu.enqueue_dma source(%dma_start3A_97 : memref<512xf32, #tpu.memory_space<vmem>>) target(%dma_start3A_95 : memref<512xf32, #tpu.memory_space<hbm>>) target_semaphore(%arg16 : memref<!tpu.dma_semaphore, #tpu.memory_space<semaphore_mem>>)
    %dma_wait3A_98 = arith.constant 0 : i32
    %dma_wait3A_99 = tpu.memref_slice %arg15[%dma_wait3A_98] : memref<4608xf32, #tpu.memory_space<vmem>> -> memref<512xf32, #tpu.memory_space<vmem>>
    %dma_wait3A_100 = tpu.memref_slice %arg8[%add3A_27] : memref<147456xf32, #tpu.memory_space<hbm>> -> memref<512xf32, #tpu.memory_space<hbm>>
    %dma_wait3A_101 = tpu.memref_slice %arg8[%add3A_27] : memref<147456xf32, #tpu.memory_space<hbm>> -> memref<512xf32, #tpu.memory_space<hbm>>
    %dma_wait3A_102 = arith.constant 0 : i32
    %dma_wait3A_103 = tpu.memref_slice %arg15[%dma_wait3A_102] : memref<4608xf32, #tpu.memory_space<vmem>> -> memref<512xf32, #tpu.memory_space<vmem>>
    tpu.wait_dma2 semaphore(%arg16 : memref<!tpu.dma_semaphore, #tpu.memory_space<semaphore_mem>>) src(%dma_wait3A_103 : memref<512xf32, #tpu.memory_space<vmem>>) dst(%dma_wait3A_101 : memref<512xf32, #tpu.memory_space<hbm>>)
    %dma_wait3A_104 = arith.constant 512 : i32
    %dma_wait3A_105 = tpu.memref_slice %arg15[%dma_wait3A_104] : memref<4608xf32, #tpu.memory_space<vmem>> -> memref<512xf32, #tpu.memory_space<vmem>>
    %dma_wait3A_106 = tpu.memref_slice %arg8[%add3A_35] : memref<147456xf32, #tpu.memory_space<hbm>> -> memref<512xf32, #tpu.memory_space<hbm>>
    %dma_wait3A_107 = tpu.memref_slice %arg8[%add3A_35] : memref<147456xf32, #tpu.memory_space<hbm>> -> memref<512xf32, #tpu.memory_space<hbm>>
    %dma_wait3A_108 = arith.constant 512 : i32
    %dma_wait3A_109 = tpu.memref_slice %arg15[%dma_wait3A_108] : memref<4608xf32, #tpu.memory_space<vmem>> -> memref<512xf32, #tpu.memory_space<vmem>>
    tpu.wait_dma2 semaphore(%arg16 : memref<!tpu.dma_semaphore, #tpu.memory_space<semaphore_mem>>) src(%dma_wait3A_109 : memref<512xf32, #tpu.memory_space<vmem>>) dst(%dma_wait3A_107 : memref<512xf32, #tpu.memory_space<hbm>>)
    %dma_wait3A_110 = arith.constant 1024 : i32
    %dma_wait3A_111 = tpu.memref_slice %arg15[%dma_wait3A_110] : memref<4608xf32, #tpu.memory_space<vmem>> -> memref<512xf32, #tpu.memory_space<vmem>>
    %dma_wait3A_112 = tpu.memref_slice %arg8[%add3A_43] : memref<147456xf32, #tpu.memory_space<hbm>> -> memref<512xf32, #tpu.memory_space<hbm>>
    %dma_wait3A_113 = tpu.memref_slice %arg8[%add3A_43] : memref<147456xf32, #tpu.memory_space<hbm>> -> memref<512xf32, #tpu.memory_space<hbm>>
    %dma_wait3A_114 = arith.constant 1024 : i32
    %dma_wait3A_115 = tpu.memref_slice %arg15[%dma_wait3A_114] : memref<4608xf32, #tpu.memory_space<vmem>> -> memref<512xf32, #tpu.memory_space<vmem>>
    tpu.wait_dma2 semaphore(%arg16 : memref<!tpu.dma_semaphore, #tpu.memory_space<semaphore_mem>>) src(%dma_wait3A_115 : memref<512xf32, #tpu.memory_space<vmem>>) dst(%dma_wait3A_113 : memref<512xf32, #tpu.memory_space<hbm>>)
    %dma_wait3A_116 = arith.constant 1536 : i32
    %dma_wait3A_117 = tpu.memref_slice %arg15[%dma_wait3A_116] : memref<4608xf32, #tpu.memory_space<vmem>> -> memref<512xf32, #tpu.memory_space<vmem>>
    %dma_wait3A_118 = tpu.memref_slice %arg8[%add3A_51] : memref<147456xf32, #tpu.memory_space<hbm>> -> memref<512xf32, #tpu.memory_space<hbm>>
    %dma_wait3A_119 = tpu.memref_slice %arg8[%add3A_51] : memref<147456xf32, #tpu.memory_space<hbm>> -> memref<512xf32, #tpu.memory_space<hbm>>
    %dma_wait3A_120 = arith.constant 1536 : i32
    %dma_wait3A_121 = tpu.memref_slice %arg15[%dma_wait3A_120] : memref<4608xf32, #tpu.memory_space<vmem>> -> memref<512xf32, #tpu.memory_space<vmem>>
    tpu.wait_dma2 semaphore(%arg16 : memref<!tpu.dma_semaphore, #tpu.memory_space<semaphore_mem>>) src(%dma_wait3A_121 : memref<512xf32, #tpu.memory_space<vmem>>) dst(%dma_wait3A_119 : memref<512xf32, #tpu.memory_space<hbm>>)
    %dma_wait3A_122 = arith.constant 2048 : i32
    %dma_wait3A_123 = tpu.memref_slice %arg15[%dma_wait3A_122] : memref<4608xf32, #tpu.memory_space<vmem>> -> memref<512xf32, #tpu.memory_space<vmem>>
    %dma_wait3A_124 = tpu.memref_slice %arg8[%add3A_59] : memref<147456xf32, #tpu.memory_space<hbm>> -> memref<512xf32, #tpu.memory_space<hbm>>
    %dma_wait3A_125 = tpu.memref_slice %arg8[%add3A_59] : memref<147456xf32, #tpu.memory_space<hbm>> -> memref<512xf32, #tpu.memory_space<hbm>>
    %dma_wait3A_126 = arith.constant 2048 : i32
    %dma_wait3A_127 = tpu.memref_slice %arg15[%dma_wait3A_126] : memref<4608xf32, #tpu.memory_space<vmem>> -> memref<512xf32, #tpu.memory_space<vmem>>
    tpu.wait_dma2 semaphore(%arg16 : memref<!tpu.dma_semaphore, #tpu.memory_space<semaphore_mem>>) src(%dma_wait3A_127 : memref<512xf32, #tpu.memory_space<vmem>>) dst(%dma_wait3A_125 : memref<512xf32, #tpu.memory_space<hbm>>)
    %dma_wait3A_128 = arith.constant 2560 : i32
    %dma_wait3A_129 = tpu.memref_slice %arg15[%dma_wait3A_128] : memref<4608xf32, #tpu.memory_space<vmem>> -> memref<512xf32, #tpu.memory_space<vmem>>
    %dma_wait3A_130 = tpu.memref_slice %arg8[%add3A_67] : memref<147456xf32, #tpu.memory_space<hbm>> -> memref<512xf32, #tpu.memory_space<hbm>>
    %dma_wait3A_131 = tpu.memref_slice %arg8[%add3A_67] : memref<147456xf32, #tpu.memory_space<hbm>> -> memref<512xf32, #tpu.memory_space<hbm>>
    %dma_wait3A_132 = arith.constant 2560 : i32
    %dma_wait3A_133 = tpu.memref_slice %arg15[%dma_wait3A_132] : memref<4608xf32, #tpu.memory_space<vmem>> -> memref<512xf32, #tpu.memory_space<vmem>>
    tpu.wait_dma2 semaphore(%arg16 : memref<!tpu.dma_semaphore, #tpu.memory_space<semaphore_mem>>) src(%dma_wait3A_133 : memref<512xf32, #tpu.memory_space<vmem>>) dst(%dma_wait3A_131 : memref<512xf32, #tpu.memory_space<hbm>>)
    %dma_wait3A_134 = arith.constant 3072 : i32
    %dma_wait3A_135 = tpu.memref_slice %arg15[%dma_wait3A_134] : memref<4608xf32, #tpu.memory_space<vmem>> -> memref<512xf32, #tpu.memory_space<vmem>>
    %dma_wait3A_136 = tpu.memref_slice %arg8[%add3A_75] : memref<147456xf32, #tpu.memory_space<hbm>> -> memref<512xf32, #tpu.memory_space<hbm>>
    %dma_wait3A_137 = tpu.memref_slice %arg8[%add3A_75] : memref<147456xf32, #tpu.memory_space<hbm>> -> memref<512xf32, #tpu.memory_space<hbm>>
    %dma_wait3A_138 = arith.constant 3072 : i32
    %dma_wait3A_139 = tpu.memref_slice %arg15[%dma_wait3A_138] : memref<4608xf32, #tpu.memory_space<vmem>> -> memref<512xf32, #tpu.memory_space<vmem>>
    tpu.wait_dma2 semaphore(%arg16 : memref<!tpu.dma_semaphore, #tpu.memory_space<semaphore_mem>>) src(%dma_wait3A_139 : memref<512xf32, #tpu.memory_space<vmem>>) dst(%dma_wait3A_137 : memref<512xf32, #tpu.memory_space<hbm>>)
    %dma_wait3A_140 = arith.constant 3584 : i32
    %dma_wait3A_141 = tpu.memref_slice %arg15[%dma_wait3A_140] : memref<4608xf32, #tpu.memory_space<vmem>> -> memref<512xf32, #tpu.memory_space<vmem>>
    %dma_wait3A_142 = tpu.memref_slice %arg8[%add3A_83] : memref<147456xf32, #tpu.memory_space<hbm>> -> memref<512xf32, #tpu.memory_space<hbm>>
    %dma_wait3A_143 = tpu.memref_slice %arg8[%add3A_83] : memref<147456xf32, #tpu.memory_space<hbm>> -> memref<512xf32, #tpu.memory_space<hbm>>
    %dma_wait3A_144 = arith.constant 3584 : i32
    %dma_wait3A_145 = tpu.memref_slice %arg15[%dma_wait3A_144] : memref<4608xf32, #tpu.memory_space<vmem>> -> memref<512xf32, #tpu.memory_space<vmem>>
    tpu.wait_dma2 semaphore(%arg16 : memref<!tpu.dma_semaphore, #tpu.memory_space<semaphore_mem>>) src(%dma_wait3A_145 : memref<512xf32, #tpu.memory_space<vmem>>) dst(%dma_wait3A_143 : memref<512xf32, #tpu.memory_space<hbm>>)
    %dma_wait3A_146 = arith.constant 4096 : i32
    %dma_wait3A_147 = tpu.memref_slice %arg15[%dma_wait3A_146] : memref<4608xf32, #tpu.memory_space<vmem>> -> memref<512xf32, #tpu.memory_space<vmem>>
    %dma_wait3A_148 = tpu.memref_slice %arg8[%add3A_91] : memref<147456xf32, #tpu.memory_space<hbm>> -> memref<512xf32, #tpu.memory_space<hbm>>
    %dma_wait3A_149 = tpu.memref_slice %arg8[%add3A_91] : memref<147456xf32, #tpu.memory_space<hbm>> -> memref<512xf32, #tpu.memory_space<hbm>>
    %dma_wait3A_150 = arith.constant 4096 : i32
    %dma_wait3A_151 = tpu.memref_slice %arg15[%dma_wait3A_150] : memref<4608xf32, #tpu.memory_space<vmem>> -> memref<512xf32, #tpu.memory_space<vmem>>
    tpu.wait_dma2 semaphore(%arg16 : memref<!tpu.dma_semaphore, #tpu.memory_space<semaphore_mem>>) src(%dma_wait3A_151 : memref<512xf32, #tpu.memory_space<vmem>>) dst(%dma_wait3A_149 : memref<512xf32, #tpu.memory_space<hbm>>)
    return
  }
}

</mosaic_0001>

<sc_bundles>
// kernel: _euler_rot_sc.3.cloned.1.call-start
scs
__scs_entry_jumppad:
0x0: {  	(pc) =	sbr.rel $0x88, $3  }
0x1: {  	(tag) =	ssettag $0x0;
	lr =	simm.s32 $0x1  }
0x2: {  	[smem:$0x3F9B] =	sst lr;
	_ =	strace $0xD0000000  }
0x3: {  	_ = 	snop  }
0x4: {  	_ = 	snop  }
0x5: {  	_ = 	snop  }
0x6: {  	_ = 	snop  }
0x7: {  	_ = 	snop  }
__scs_overlays_trampoline_lowered:
0x8: {  	[smem:$0x3FAA] =	sst s0  }
0x9: {  	[smem:$0x3FAB] =	sst s1  }
0xa: {  	[smem:$0x3FAC] =	sst s2  }
0xb: {  	[smem:$0x3FAD] =	sst s3  }
0xc: {  	[smem:$0x3FAE] =	sst s4  }
0xd: {  	[smem:$0x3FAF] =	sst s5  }
0xe: {  	[smem:$0x3FB0] =	sst s6  }
0xf: {  	[smem:$0x3FB1] =	sst s7  }
0x10: {  	[smem:$0x3FB2] =	sst s8  }
0x11: {  	[smem:$0x3FB3] =	sst s9;
	s0 =	simm.s32 @!p0 $0x0  }
0x12: {  	s1 =	sld [smem:$0x3F99];
	s0 =	simm.s32 @p0 $0x1  }
0x13: {  	[smem:$0x3FB4] =	sst s0;
	s0 =	simm.s32 @!p1 $0x0  }
0x14: {  	s2 =	sld [smem:$0x3F98];
	s0 =	simm.s32 @p1 $0x1  }
0x15: {  	[smem:$0x3FB5] =	sst s0;
	s0 =	simm.s32 @!p2 $0x0  }
0x16: {  	s3 =	sld [smem:$0x3FDB];
	s0 =	simm.s32 @p2 $0x1  }
0x17: {  	s4 =	simm.s32 $0x1BF5;
	[smem:$0x3FB7] =	sst s0  }
0x18: {  	s0 =	sld [smem:$0x3F9A];
	_ =	swait.ge [sflag:s4], $0x0  }
0x19: {  	s7 =	sld [smem:$0x3F9B]  }
0x1a: {  	s8 =	sadd.s32 $0xFFFFE003, lr  }
0x1b: {  	s9 =	sadd.s32 $0xFFFFFEF7, lr;
	s5 =	simm.s32 $0xFFFFFFFF;
	p2 =	slt.u32 s8, $0xFFFFF086  }
0x1c: {  	p1 =	slt.u32 s9, $0xF7A;
	s5 =	simm.s32 @!p2 $0x0  }
0x1d: {  	s5 =	simm.s32 @p1 $0x1;
	p0 =	seq.s32 s7, s2  }
0x1e: {  	s7 =	smul.u32 @!p0 $0xF7A, s2;
	p2 =	seq.s32 @!p0 s5, $0x0  }
0x1f: {  	s9 =	smul.u32 $0xF7A, s1;
	s8 =	simm.s32 @!p0 $0x1BF5;
	p2 =	por !p2, p0  }
0x20: {  	[sflag:s8] =	ssyncset.s32 @!p0 $0xFFFFF086;
	s6 =	sadd.s32 @!p0 s3, s7;
	s7 =	simm.s32 @!p0 $0x108  }
0x21: {  	s3 =	sadd.s32 s3, s9;
	s6 =	sadd.s32 @!p0 $0x88, s6;
	s7 =	simm.s32 @p2 $0x1082  }
0x22: {  	[simem:s7], [sflag:s8] =	dma.local @!p0 [hbm:s6], $0xF7A  }
0x23: {  	s9 =	sor.u32 $0xD0000000, s2;
	s6 =	simm.s32 $0x108;
	_ =	swait.ge @!p0 [sflag:s8], $0x0  }
0x24: {  	s3 =	sadd.s32 $0x88, s3;
	s6 =	simm.s32 @!p1 $0x1082;
	[sflag:s4] =	ssyncset.s32 $0xFFFFF086  }
0x25: {  	[simem:s6], [sflag:s4] =	dma.local [hbm:s3], $0xF7A  }
0x26: {  	[smem:$0x3F9B] =	sst s1;
	(tag) =	ssettag s2;
	_ =	strace s9  }
0x27: {  	s1 =	sld [smem:$0x3FAB]  }
0x28: {  	s2 =	sld [smem:$0x3FAC]  }
0x29: {  	s4 =	sld [smem:$0x3FAE]  }
0x2a: {  	p0 =	seq.s32 s5, $0x0;
	s5 =	sld [smem:$0x3FAF]  }
0x2b: {  	s6 =	sld [smem:$0x3FB0]  }
0x2c: {  	s7 =	sld [smem:$0x3FB1]  }
0x2d: {  	s3 =	simm.s32 $0x108;
	s8 =	sld [smem:$0x3FB2]  }
0x2e: {  	s3 =	simm.s32 @!p0 $0x1082;
	s9 =	sld [smem:$0x3FB3]  }
0x2f: {  	lr =	sadd.s32 s0, s3;
	s0 =	sld [smem:$0x3FAA]  }
0x30: {  	s3 =	sld [smem:$0x3FAD]  }
0x31: {  	[smem:$0x3FB6] =	sst s10  }
0x32: {  	s10 =	sld [smem:$0x3FB4];
	_ =	sdelay $0x3  }
0x33: {  	p0 =	seq.s32 s10, $0x1;
	s10 =	sld [smem:$0x3FB6];
	_ =	sdelay $0x3  }
0x34: {  	[smem:$0x3FB6] =	sst s10  }
0x35: {  	s10 =	sld [smem:$0x3FB5];
	_ =	sdelay $0x3  }
0x36: {  	p1 =	seq.s32 s10, $0x1;
	s10 =	sld [smem:$0x3FB6];
	_ =	sdelay $0x3  }
0x37: {  	[smem:$0x3FB6] =	sst s10  }
0x38: {  	s10 =	sld [smem:$0x3FB7]  }
0x39: {  	_ = 	snop;
	(pc) =	sbr.ind lr, $3  }
0x3a: {  	_ = 	snop  }
0x3b: {  	_ = 	snop  }
0x3c: {  	p2 =	seq.s32 s10, $0x1;
	s10 =	sld [smem:$0x3FB6]  }
0x3d: {  	_ =	shalt  }
0x3e: {  	_ =	shalt  }
0x3f: {  	_ =	shalt  }
0x40: {  	_ =	shalt  }
0x41: {  	_ =	shalt  }
0x42: {  	_ =	shalt  }
0x43: {  	_ =	shalt  }
0x44: {  	_ =	shalt  }
0x45: {  	_ =	shalt  }
0x46: {  	_ =	shalt  }
0x47: {  	_ =	shalt  }
0x48: {  	_ =	shalt  }
0x49: {  	_ =	shalt  }
0x4a: {  	_ =	shalt  }
0x4b: {  	_ =	shalt  }
0x4c: {  	_ =	shalt  }
0x4d: {  	_ =	shalt  }
0x4e: {  	_ =	shalt  }
0x4f: {  	_ =	shalt  }
0x50: {  	_ =	shalt  }
0x51: {  	_ =	shalt  }
0x52: {  	_ =	shalt  }
0x53: {  	_ =	shalt  }
0x54: {  	_ =	shalt  }
0x55: {  	_ =	shalt  }
0x56: {  	_ =	shalt  }
0x57: {  	_ =	shalt  }
0x58: {  	_ =	shalt  }
0x59: {  	_ =	shalt  }
0x5a: {  	_ =	shalt  }
0x5b: {  	_ =	shalt  }
0x5c: {  	_ =	shalt  }
0x5d: {  	_ =	shalt  }
0x5e: {  	_ =	shalt  }
0x5f: {  	_ =	shalt  }
0x60: {  	_ =	shalt  }
0x61: {  	_ =	shalt  }
0x62: {  	_ =	shalt  }
0x63: {  	_ =	shalt  }
0x64: {  	_ =	shalt  }
0x65: {  	_ =	shalt  }
0x66: {  	_ =	shalt  }
0x67: {  	_ =	shalt  }
0x68: {  	_ =	shalt  }
0x69: {  	_ =	shalt  }
0x6a: {  	_ =	shalt  }
0x6b: {  	_ =	shalt  }
0x6c: {  	_ =	shalt  }
0x6d: {  	_ =	shalt  }
0x6e: {  	_ =	shalt  }
0x6f: {  	_ =	shalt  }
0x70: {  	_ =	shalt  }
0x71: {  	_ =	shalt  }
0x72: {  	_ =	shalt  }
0x73: {  	_ =	shalt  }
0x74: {  	_ =	shalt  }
0x75: {  	_ =	shalt  }
0x76: {  	_ =	shalt  }
0x77: {  	_ =	shalt  }
0x78: {  	_ =	shalt  }
0x79: {  	_ =	shalt  }
0x7a: {  	_ =	shalt  }
0x7b: {  	_ =	shalt  }
0x7c: {  	_ =	shalt  }
0x7d: {  	_ =	shalt  }
0x7e: {  	_ =	shalt  }
0x7f: {  	_ =	shalt  }
0x80: {  	_ =	shalt  }
0x81: {  	_ =	shalt  }
0x82: {  	_ =	shalt  }
0x83: {  	_ =	shalt  }
0x84: {  	_ =	shalt  }
0x85: {  	_ =	shalt  }
0x86: {  	_ =	shalt  }
0x87: {  	_ =	shalt  }
.Lfunc_end0:
.L_simem_size_0:
called_computation_lowered:
.L_overlay_start_0:
0x88: {  	s2 =	sld [smem:$0x3FD9]  }
0x89: {  	s3 =	sld [smem:$0x3FFE];
	_ =	sdelay $0x1  }
0x8a: {  	s1 =	srdreg.scid  }
0x8b: {  	s0 =	sand.u32 $0x1, s1  }
0x8c: {  	s18 =	sshll.u32 s0, $0xA;
	s2 =	sadd.s32 s3, s2  }
0x8d: {  	s2 =	sadd.s32 s2, s18  }
0x8e: {  	[smem:$0x3FC2] =	sst s2  }
0x8f: {  	_ = 	snop  }
0x90: {  	s2 =	sld [smem:$0x3FC9]  }
0x91: {  	s19 =	sld [smem:$0x3FC8]  }
0x92: {  	s4 =	sld [smem:$0x3FC7]  }
0x93: {  	s5 =	sld [smem:$0x3FC6]  }
0x94: {  	s6 =	sld [smem:$0x3FC5]  }
0x95: {  	s7 =	sld [smem:$0x3FC4]  }
0x96: {  	s8 =	sld [smem:$0x3FD0];
	(tm) =	ssettm $0x1  }
0x97: {  	s9 =	sld [smem:$0x3FFB];
	_ =	sdelay $0x3  }
0x98: {  	_ =	strace s9  }
0x99: {  	s9 =	sld [smem:$0x3FFC];
	_ =	sdelay $0x3  }
0x9a: {  	_ =	strace s9  }
0x9b: {  	s9 =	sld [smem:$0x3FFD];
	_ =	sdelay $0x3  }
0x9c: {  	_ =	strace s9  }
0x9d: {  	_ =	strace $0x8FFFFFFF  }
0x9e: {  	s20 =	sld [smem:$0x3FDB];
	_ =	sdelay $0x1  }
0x9f: {  	s10 =	simm.s32 $_scs_section_size  }
0xa0: {  	s11 =	simm.s32 $_size__tile_overlayer_lowered;
	s12 =	simm.s32 $_tile_overlayer_lowered  }
0xa1: {  	s23 =	simm.s32 $0x1BFF;
	s22 =	sshll.u32 s12, $0x1;
	s9 =	sadd.s32 s10, s20  }
0xa2: {  	s13 =	simm.s32 $0x0;
	s21 =	sshll.u32 s11, $0x1;
	s11 =	sadd.s32 s22, s9  }
0xa3: {  	[timem:s13], [sflag:s23] =	dma.local [hbm:s11], s21  }
0xa4: {  	_ =	swait.ge [sflag:s23], s21  }
0xa5: {  	s10 =	ssub.s32 $0x0, s21;
	[sflag:s23] =	ssyncset.done $0x0  }
0xa6: {  	[sflag:s23] =	ssyncadd.s32 s10;
	_ =	sdelay $0x1  }
0xa7: {  	s24 =	simm.s32 $0x1B8B  }
0xa8: {  	_ =	swait.ge [sflag:s24], $0x1  }
0xa9: {  	[sflag:s24] =	ssyncset.done $0x0  }
0xaa: {  	s25 =	simm.s32 $0x1B8E;
	[sflag:s24] =	ssyncadd.s32 $0xFFFFFFFF  }
0xab: {  	s26 =	simm.s32 $execute0_lowered;
	[smem:$0x3FD2] =	sst s25  }
0xac: {  	s10 =	sshll.u32 s26, $0x1;
	_ =	strace $0x80000046;
	[dreg:$0x1] =	wrdreg $0xFFFFFFFF  }
0xad: {  	s28 =	simm.s32 $_size_execute0_lowered;
	s9 =	sadd.s32 s9, s10;
	[dreg:$0x0] =	wrdreg $0x0  }
0xae: {  	s10 =	sshll.u32 s28, $0x1;
	[dreg:$0x2] =	wrdreg s9  }
0xaf: {  	[dreg:$0x3] =	wrdreg s10  }
0xb0: {  	[dreg:$0x4] =	wrdreg $0xC0  }
0xb1: {  	_ =	task [dreg:s13], $0x5FFFF  }
0xb2: {  	[dreg:$0x1] =	wrdreg $0xFFFFFFFF  }
0xb3: {  	[dreg:$0x0] =	wrdreg $0x60  }
0xb4: {  	[dreg:$0x2] =	wrdreg s2  }
0xb5: {  	[dreg:$0x3] =	wrdreg s19  }
0xb6: {  	[dreg:$0x4] =	wrdreg s4  }
0xb7: {  	[dreg:$0x5] =	wrdreg s5  }
0xb8: {  	[dreg:$0x6] =	wrdreg s6  }
0xb9: {  	[dreg:$0x7] =	wrdreg s7  }
0xba: {  	[dreg:$0x8] =	wrdreg s8  }
0xbb: {  	[dreg:$0x9] =	wrdreg $0x9  }
0xbc: {  	_ =	task.clear_ibuf [dreg:s13], $0xAFFFF;
	_ =	strace $0x90000046  }
0xbd: {  	s29 =	simm.s32 $0x9;
	_ =	strace $0x80000048  }
0xbe: {  	_ =	swait.ge [sflag:s29], $0x1  }
0xbf: {  	[sflag:s29] =	ssyncadd.s32 $0xFFFFFFFF  }
0xc0: {  	_ =	strace $0x90000048  }
0xc1: {  	_ =	sfence  }
0xc2: {  	s30 =	sld [smem:$0x0];
	_ =	sdelay $0x2  }
0xc3: {  	s31 =	sshll.u32 s1, $0xD;
	s1 =	sshrl.u32 s1, $0x2  }
0xc4: {  	s3 =	sand.u32 $0x4000, s31;
	s1 =	sadd.s32 s1, s30  }
0xc5: {  	s0 =	sor.u32 s3, s0;
	s1 =	sshll.u32 s1, $0x11  }
0xc6: {  	s0 =	sor.u32 s1, s0  }
0xc7: {  	s0 =	sadd.s32 $0x8F2B, s0  }
0xc8: {  	[sflag:s0] =	ssyncadd.remote.s32 $0x1  }
0xc9: {  	_ =	sfence.sel $0xFFFF  }
0xca: {  	[dreg:$0x0] =	wrdreg $0xFFFFFFFF;
	(pc) =	sbr.abs _section_cstart, $3  }
0xcb: {  	[dreg:$0x1] =	wrdreg $0xFFFFFFFF  }
0xcc: {  	_ =	task.clear_ibuf [dreg:s13], $0x2FFFF;
	_ =	strace $0x9FFFFFFF  }
0xcd: {  	(tm) =	ssettm $0x7FFFFFFF  }
tec
execute0_lowered:
.L_overlay_start_1:
0x0: {  	(tag) =	ssettag $0x1  }
0x1: {  	s0 =	rddreg [dreg:$0x0]  }
0x2: {  	s1 =	rddreg [dreg:$0x6];
	s7 =	simm.s32 $0x0;
	s2 =	srdreg.scid  }
0x3: {  	s4 =	stileid.u32;
	s19 =	simm.s32 $0x2;
	s20 =	simm.s32 $0x1  }
0x4: {  	s21 =	simm.s32 $0xC00;
	s25 =	simm.s32 $0x1400;
	s26 =	simm.s32 $0x1600  }
0x5: {  	s28 =	simm.s32 $0x1800;
	s29 =	simm.s32 $0x1A00;
	s30 =	simm.s32 $0x1C00  }
0x6: {  	s31 =	simm.s32 $0x0;
	[smem:$0x7FF] =	sst s7;
	s2 =	sand.u32 $0x1, s2  }
0x7: {  	s4 =	sshll.u32 s4, $0x7;
	s3 =	ssub.s32 $0x2, s2;
	s2 =	sshll.u32 s2, $0x6  }
0x8: {  	_ =	strace $0x80000047;
	s5 =	sshrl.u32 s3, $0x1;
	s2 =	sor.u32 s2, s4  }
0x9: {  	s3 =	ssub.s32 s3, s5;
	s8 =	sadd.s32 s0, s2;
	s9 =	sadd.s32 s1, s2  }
0xa: {  	s10 =	sadd.s32 $0x800, s9;
	s11 =	sadd.s32 $0x1000, s9;
	s12 =	sadd.s32 $0x1800, s9  }
0xb: {  	s13 =	sadd.s32 $0x2000, s9;
	s14 =	sadd.s32 $0x2800, s9;
	s15 =	sadd.s32 $0x3000, s9  }
0xc: {  	s16 =	sadd.s32 $0x3800, s9;
	s17 =	sadd.s32 $0x4000, s9;
	s18 =	smax.u32 s3, $0x1  }
.LBB2_1:
0xd: {  	[tilespmem:s7], [sflag:$0x2] =	stream.linear.gather [hbm4b:s8+s7], $0x200, $0x38;
	[tilespmem:$0x1E00] =	vst v63  }
0xe: {  	_ =	swait.ge [sflag:s19], $0x200  }
0xf: {  	[sflag:s19] =	ssyncset.done $0x0  }
0x10: {  	[sflag:s19] =	ssyncadd.s32 $0xFFFFFE00  }
0x11: {  	s0 =	simm.s32 $0x200;
	s1 =	rddreg [dreg:$0x1]  }
0x12: {  	[tilespmem:s0], [sflag:$0x1] =	stream.indirect.gather [hbm4b:s1+s0], $0x1, s7, s0, $0xb8;
	[tilespmem:$0x1E00] =	vst v63  }
0x13: {  	s6 =	simm.s32 $0x400;
	s22 =	rddreg [dreg:$0x2]  }
0x14: {  	[tilespmem:s6], [sflag:$0x1] =	stream.indirect.gather [hbm4b:s22+s0], $0x1, s7, s0, $0xb8;
	[tilespmem:$0x1E00] =	vst v63  }
0x15: {  	s2 =	rddreg [dreg:$0x3];
	s1 =	simm.s32 $0x600  }
0x16: {  	[tilespmem:s1], [sflag:$0x1] =	stream.indirect.gather [hbm4b:s2+s0], $0x1, s7, s0, $0xb8;
	[tilespmem:$0x1E00] =	vst v63  }
0x17: {  	s23 =	simm.s32 $0x800;
	s3 =	rddreg [dreg:$0x4]  }
0x18: {  	[tilespmem:s23], [sflag:$0x1] =	stream.indirect.gather [hbm4b:s3+s0], $0x1, s7, s0, $0xb8;
	[tilespmem:$0x1E00] =	vst v63  }
0x19: {  	s24 =	simm.s32 $0xA00;
	s4 =	rddreg [dreg:$0x5]  }
0x1a: {  	[tilespmem:s24], [sflag:$0x1] =	stream.indirect.gather [hbm4b:s4+s0], $0x1, s7, s0, $0xb8;
	[tilespmem:$0x1E00] =	vst v63  }
0x1b: {  	_ =	swait.ge [sflag:s20], $0x200  }
0x1c: {  	[sflag:s20] =	ssyncset.done $0x0  }
0x1d: {  	[sflag:s20] =	ssyncadd.s32 $0xFFFFFE00  }
0x1e: {  	_ =	swait.ge [sflag:s20], $0x200  }
0x1f: {  	[sflag:s20] =	ssyncset.done $0x0  }
0x20: {  	[sflag:s20] =	ssyncadd.s32 $0xFFFFFE00  }
0x21: {  	_ =	swait.ge [sflag:s20], $0x200  }
0x22: {  	[sflag:s20] =	ssyncset.done $0x0  }
0x23: {  	[sflag:s20] =	ssyncadd.s32 $0xFFFFFE00  }
0x24: {  	_ =	swait.ge [sflag:s20], $0x200  }
0x25: {  	[sflag:s20] =	ssyncset.done $0x0  }
0x26: {  	[sflag:s20] =	ssyncadd.s32 $0xFFFFFE00  }
0x27: {  	_ =	swait.ge [sflag:s20], $0x200  }
0x28: {  	[sflag:s20] =	ssyncset.done $0x0  }
0x29: {  	[sflag:s20] =	ssyncadd.s32 $0xFFFFFE00  }
0x2a: {  	v0 =	vld [tilespmem:s1+$0x0];
	_ =	sdelay $0x4  }
0x2b: {  	v0 =	vmax.f32 v0, $0.0e+00  }
0x2c: {  	v0 =	vmin.f32 v0, $3.141592740e+00  }
0x2d: {  	v1 =	vadd.f32 $-1.570796370e+00, v0;
	_ =	sdelay $0x1  }
0x2e: {  	v4 =	vmul.f32 v1, v1;
	_ =	sdelay $0x1  }
0x2f: {  	v0 =	vmul.f32 $-1.860897610e-04, v4  }
0x30: {  	v2 =	vmul.f32 $2.323757870e-05, v4  }
0x31: {  	v0 =	vadd.f32 $8.315964600e-03, v0  }
0x32: {  	v2 =	vadd.f32 $-1.385741870e-03, v2  }
0x33: {  	v0 =	vmul.f32 v0, v4  }
0x34: {  	v2 =	vmul.f32 v2, v4  }
0x35: {  	v0 =	vadd.f32 $-1.666589080e-01, v0  }
0x36: {  	v2 =	vadd.f32 $4.166409000e-02, v2  }
0x37: {  	v3 =	vmul.f32 v0, v4  }
0x38: {  	v2 =	vmul.f32 v2, v4  }
0x39: {  	v8 =	vld [tilespmem:s23+$0x0];
	v5 =	vadd.f32 $9.999994630e-01, v3  }
0x3a: {  	v0 =	vld [tilespmem:s0+$0x0];
	v6 =	vadd.f32 $-4.999992550e-01, v2  }
0x3b: {  	v2 =	vld [tilespmem:s6+$0x0];
	v1 =	vmul.f32 v5, v1  }
0x3c: {  	v3 =	vld [tilespmem:s24+$0x0];
	v4 =	vmul.f32 v6, v4  }
0x3d: {  	v5 =	vsub.f32 $0.0e+00, v1  }
0x3e: {  	v1 =	vadd.f32 $9.999999400e-01, v4  }
0x3f: {  	v4 =	vmul.f32 v5, v0  }
0x40: {  	v7 =	vmul.f32 v5, v2;
	v6 =	vsub.f32 $0.0e+00, v1  }
0x41: {  	v9 =	vmul.f32 v3, v2;
	v10 =	vmul.f32 v4, v8  }
0x42: {  	v11 =	vsub.f32 $0.0e+00, v7;
	v6 =	vmul.f32 v6, v8;
	v12 =	vsub.f32 $0.0e+00, v4  }
0x43: {  	v4 =	vmul.f32 v8, v2;
	v7 =	vmul.f32 v7, v8;
	v13 =	vsub.f32 v10, v9  }
0x44: {  	s5 =	simm.s32 $0xA10;
	s2 =	simm.s32 $0x10;
	v9 =	vmul.f32 v11, v3;
	v10 =	vmul.f32 v8, v0  }
0x45: {  	s3 =	simm.s32 $0xC10;
	s4 =	simm.s32 $0x810;
	s24 =	sand.u32 $0x1F0, s7;
	v8 =	vmul.f32 v12, v3;
	v11 =	vmul.f32 v1, v3;
	[tilespmem:s21+$0x0] =	vst v13  }
.LBB2_2:
0x46: {  	[tilespmem:s24+$0x1C00] =	vst v5;
	s0 =	sadd.s32 $0x10, s0;
	s6 =	sadd.s32 $0x10, s6;
	s1 =	sadd.s32 $0x10, s1  }
0x47: {  	p0 =	sne.s32 s2, $0x1F0;
	v3 =	vmul.f32 v3, v0;
	v2 =	vmul.f32 v1, v2;
	s22 =	smov.u32 s2;
	s2 =	sadd.s32 $0x10, s2;
	[tilespmem:s24+$0x1A00] =	vst v11  }
0x48: {  	v5 =	vadd.f32 v9, v10;
	s23 =	smov.u32 s3;
	[tilespmem:s24+$0x1800] =	vst v6  }
0x49: {  	v3 =	vadd.f32 v7, v3;
	[tilespmem:s24+$0x1600] =	vst v2  }
0x4a: {  	v0 =	vmul.f32 v1, v0;
	[tilespmem:s24+$0x1400] =	vst v5  }
0x4b: {  	v1 =	vsub.f32 v8, v4;
	[tilespmem:s24+$0x1200] =	vst v3  }
0x4c: {  	[tilespmem:s24+$0x1000] =	vst v0  }
0x4d: {  	[tilespmem:s24+$0xE00] =	vst v1  }
0x4e: {  	v0 =	vld [tilespmem:s1+$0x0];
	_ =	sdelay $0x4  }
0x4f: {  	v0 =	vmax.f32 v0, $0.0e+00  }
0x50: {  	v0 =	vmin.f32 v0, $3.141592740e+00  }
0x51: {  	v1 =	vadd.f32 $-1.570796370e+00, v0;
	_ =	sdelay $0x1  }
0x52: {  	v4 =	vmul.f32 v1, v1;
	_ =	sdelay $0x1  }
0x53: {  	v0 =	vmul.f32 $2.323757870e-05, v4;
	v2 =	vmul.f32 $-1.860897610e-04, v4;
	_ =	sdelay $0x1  }
0x54: {  	v0 =	vadd.f32 $-1.385741870e-03, v0;
	v2 =	vadd.f32 $8.315964600e-03, v2;
	_ =	sdelay $0x1  }
0x55: {  	v0 =	vmul.f32 v0, v4;
	v2 =	vmul.f32 v2, v4;
	_ =	sdelay $0x1  }
0x56: {  	v0 =	vadd.f32 $4.166409000e-02, v0;
	v2 =	vadd.f32 $-1.666589080e-01, v2;
	_ =	sdelay $0x1  }
0x57: {  	v3 =	vmul.f32 v0, v4;
	v2 =	vmul.f32 v2, v4;
	_ =	sdelay $0x1  }
0x58: {  	v0 =	vld [tilespmem:s0+$0x0];
	v5 =	vadd.f32 $-4.999992550e-01, v3;
	v6 =	vadd.f32 $9.999994630e-01, v2  }
0x59: {  	v2 =	vld [tilespmem:s6+$0x0]  }
0x5a: {  	v3 =	vld [tilespmem:s5+$0x0];
	v4 =	vmul.f32 v5, v4;
	v5 =	vmul.f32 v6, v1  }
0x5b: {  	v8 =	vld [tilespmem:s4+$0x0]  }
0x5c: {  	v1 =	vadd.f32 $9.999999400e-01, v4;
	v5 =	vsub.f32 $0.0e+00, v5;
	_ =	sdelay $0x1  }
0x5d: {  	v4 =	vmul.f32 v5, v0;
	v7 =	vmul.f32 v5, v2;
	v6 =	vsub.f32 $0.0e+00, v1  }
0x5e: {  	v9 =	vmul.f32 v3, v2  }
.Ltmp0:
0x5f: {  	v10 =	vmul.f32 v4, v8;
	v11 =	vsub.f32 $0.0e+00, v7;
	v6 =	vmul.f32 v6, v8;
	(pc) =	sbr.rel @p0 .LBB2_2-.Ltmp0, $4  }
0x60: {  	v12 =	vsub.f32 $0.0e+00, v4;
	v4 =	vmul.f32 v8, v2;
	v7 =	vmul.f32 v7, v8  }
0x61: {  	v13 =	vsub.f32 v10, v9;
	v9 =	vmul.f32 v11, v3;
	v10 =	vmul.f32 v8, v0  }
0x62: {  	s3 =	sadd.s32 $0x10, s3;
	v8 =	vmul.f32 v12, v3  }
0x63: {  	s24 =	sand.u32 $0x1F0, s22;
	s5 =	sadd.s32 $0x10, s5;
	s4 =	sadd.s32 $0x10, s4;
	v11 =	vmul.f32 v1, v3;
	[tilespmem:s23+$0x0] =	vst v13  }
0x64: {  	[tilespmem:s24+$0x1C00] =	vst v5  }
0x65: {  	v2 =	vmul.f32 v1, v2;
	[tilespmem:s24+$0x1800] =	vst v6  }
0x66: {  	v61 =	vadd.f32 v9, v10;
	[tilespmem:s24+$0x1A00] =	vst v11  }
0x67: {  	v3 =	vmul.f32 v3, v0;
	v62 =	vmul.f32 v1, v0;
	[tilespmem:s24+$0x1600] =	vst v2  }
0x68: {  	v63 =	vsub.f32 v8, v4;
	[tilespmem:s24+$0x1400] =	vst v61  }
0x69: {  	v3 =	vadd.f32 v7, v3;
	[tilespmem:s24+$0x1000] =	vst v62  }
0x6a: {  	[tilespmem:s24+$0xE00] =	vst v63  }
0x6b: {  	[tilespmem:s24+$0x1200] =	vst v3  }
0x6c: {  	[hbm4b:s9+s7] =	stream.linear.scatter [tilespmem:s21], [sflag:$0x1], $0x200, $0x38;
	[tilespmem:$0x1E00] =	vst v63  }
0x6d: {  	s0 =	simm.s32 $0xE00  }
0x6e: {  	[hbm4b:s10+s7] =	stream.linear.scatter [tilespmem:s0], [sflag:$0x1], $0x200, $0x38;
	[tilespmem:$0x1E00] =	vst v63  }
0x6f: {  	s23 =	simm.s32 $0x1000  }
0x70: {  	[hbm4b:s11+s7] =	stream.linear.scatter [tilespmem:s23], [sflag:$0x1], $0x200, $0x38;
	[tilespmem:$0x1E00] =	vst v63  }
0x71: {  	s24 =	simm.s32 $0x1200  }
0x72: {  	[hbm4b:s12+s7] =	stream.linear.scatter [tilespmem:s24], [sflag:$0x1], $0x200, $0x38;
	[tilespmem:$0x1E00] =	vst v63  }
0x73: {  	_ = 	snop  }
0x74: {  	[hbm4b:s13+s7] =	stream.linear.scatter [tilespmem:s25], [sflag:$0x1], $0x200, $0x38;
	[tilespmem:$0x1E00] =	vst v63  }
0x75: {  	_ = 	snop  }
0x76: {  	[hbm4b:s14+s7] =	stream.linear.scatter [tilespmem:s26], [sflag:$0x1], $0x200, $0x38;
	[tilespmem:$0x1E00] =	vst v63  }
0x77: {  	_ = 	snop  }
0x78: {  	[hbm4b:s15+s7] =	stream.linear.scatter [tilespmem:s28], [sflag:$0x1], $0x200, $0x38;
	[tilespmem:$0x1E00] =	vst v63  }
0x79: {  	_ = 	snop  }
0x7a: {  	[hbm4b:s16+s7] =	stream.linear.scatter [tilespmem:s29], [sflag:$0x1], $0x200, $0x38;
	[tilespmem:$0x1E00] =	vst v63  }
0x7b: {  	_ = 	snop  }
0x7c: {  	[hbm4b:s17+s7] =	stream.linear.scatter [tilespmem:s30], [sflag:$0x1], $0x200, $0x38;
	[tilespmem:$0x1E00] =	vst v63  }
0x7d: {  	_ =	swait.ge [sflag:s20], $0x200  }
0x7e: {  	[sflag:s20] =	ssyncset.done $0x0  }
0x7f: {  	[sflag:s20] =	ssyncadd.s32 $0xFFFFFE00  }
0x80: {  	_ =	swait.ge [sflag:s20], $0x200  }
0x81: {  	[sflag:s20] =	ssyncset.done $0x0  }
0x82: {  	[sflag:s20] =	ssyncadd.s32 $0xFFFFFE00  }
0x83: {  	_ =	swait.ge [sflag:s20], $0x200  }
0x84: {  	[sflag:s20] =	ssyncset.done $0x0  }
0x85: {  	[sflag:s20] =	ssyncadd.s32 $0xFFFFFE00  }
0x86: {  	_ =	swait.ge [sflag:s20], $0x200  }
0x87: {  	[sflag:s20] =	ssyncset.done $0x0  }
0x88: {  	[sflag:s20] =	ssyncadd.s32 $0xFFFFFE00  }
0x89: {  	_ =	swait.ge [sflag:s20], $0x200  }
0x8a: {  	[sflag:s20] =	ssyncset.done $0x0  }
0x8b: {  	[sflag:s20] =	ssyncadd.s32 $0xFFFFFE00  }
0x8c: {  	_ =	swait.ge [sflag:s20], $0x200  }
0x8d: {  	[sflag:s20] =	ssyncset.done $0x0  }
0x8e: {  	[sflag:s20] =	ssyncadd.s32 $0xFFFFFE00  }
0x8f: {  	_ =	swait.ge [sflag:s20], $0x200  }
0x90: {  	[sflag:s20] =	ssyncset.done $0x0  }
0x91: {  	s31 =	sadd.s32 $0x1, s31;
	[sflag:s20] =	ssyncadd.s32 $0xFFFFFE00  }
0x92: {  	p0 =	sne.s32 s31, s18;
	_ =	swait.ge [sflag:s20], $0x200  }
.Ltmp1:
0x93: {  	[sflag:s20] =	ssyncset.done $0x0;
	(pc) =	sbr.rel @p0 .LBB2_1-.Ltmp1, $4  }
0x94: {  	[sflag:s20] =	ssyncadd.s32 $0xFFFFFE00  }
0x95: {  	_ =	swait.ge [sflag:s20], $0x200  }
0x96: {  	[sflag:s20] =	ssyncset.done $0x0  }
0x97: {  	[sflag:s20] =	ssyncadd.s32 $0xFFFFFE00  }
0x98: {  	_ =	sfence.sel $0x180000  }
0x99: {  	[bflag:$0x0] =	sbarrier.arrive $0xFFFF  }
0x9a: {  	_ =	strace $0x90000047  }
0x9b: {  	s0 =	stileid.u32;
	[bflag:$0x2] =	sbarrier.arrive $0xFFFF  }
0x9c: {  	p0 =	sne.s32 s0, $0x0;
	s0 =	rddreg [dreg:$0x7]  }
0x9d: {  	s0 =	sadd.s32 @!p0 $0x100000, s0  }
0x9e: {  	[sflag:s0] =	ssyncadd.tile.s32 @!p0 $0x1;
	_ =	shalt  }
.Lfunc_end2:
_tile_overlayer_lowered:
.L_overlay_start_2:
0x9f: {  	(tag) =	ssettag $0x2  }
0xa0: {  	s0 =	rddreg [dreg:$0x0];
	s2 =	stileid.u32  }
0xa1: {  	s1 =	rddreg [dreg:$0x1];
	p0 =	sne.s32 s2, $0x0  }
0xa2: {  	s3 =	rddreg [dreg:$0x2];
	[bflag:$0x3] =	sbarrier.arrive $0xFFFF;
	s2 =	simm.s32 @!p0 $0x1C02  }
0xa3: {  	[timem:s3], [sflag:s2] =	dma.local @!p0 [hbm:s0], s1  }
0xa4: {  	s0 =	simm.s32 @!p0 $0x2  }
0xa5: {  	_ =	swait.ge @!p0 [sflag:s0], s1  }
0xa6: {  	s1 =	ssub.s32 @!p0 $0x0, s1;
	[sflag:s0] =	ssyncset.done @!p0 $0x0  }
0xa7: {  	[sflag:s0] =	ssyncadd.s32 @!p0 s1  }
0xa8: {  	[bflag:$0x3] =	sbarrier.arrive $0xFFFF  }
0xa9: {  	_ =	shalt  }

</sc_bundles>
